<compile_context>
chip_gen: v7x
topology: tpu7x:2x2x1
jax: 0.10.2.dev20260603
libtpu: 0.0.44.dev20260713+nightly
codegen_flags: <defaults>
</compile_context>

<pallas_src>
import functools

import jax
import jax.numpy as jnp
from jax import lax
from jax.experimental import pallas as pl
from jax.experimental.pallas import tpu as pltpu
from jax.experimental.pallas import tpu_sc as plsc

_PROB = 0.12


def _jitter_index(l):
    k1, k2 = jax.random.split(jax.random.key(42))
    index = jnp.arange(l, dtype=jnp.float32)
    change = jax.random.bernoulli(k1, _PROB * 2.0, (l,)).astype(jnp.float32)
    shift = jax.random.bernoulli(k2, 0.5, (l,)).astype(jnp.float32) * 2.0 - 1.0
    index = index + change * shift
    index = jnp.clip(index.astype(jnp.int32), 0, l - 1)
    return index


def _sc_row_gather(x2, gidx, chunk):
    B, D = x2.shape
    info = plsc.get_sparse_core_info()
    nc, ns = info.num_cores, info.num_subcores
    nw = nc * ns
    rpw = B // nw
    n_chunks = rpw // chunk
    assert rpw % chunk == 0 and chunk % 8 == 0

    mesh = plsc.VectorSubcoreMesh(core_axis_name="c", subcore_axis_name="s")

    @functools.partial(
        pl.kernel,
        out_type=jax.ShapeDtypeStruct((B, D), jnp.float32),
        mesh=mesh,
        scratch_types=[
            pltpu.VMEM((rpw,), jnp.int32),
            pltpu.VMEM((chunk, D), jnp.float32),
            pltpu.VMEM((chunk, D), jnp.float32),
            pltpu.SemaphoreType.DMA,
            pltpu.SemaphoreType.DMA,
        ],
    )
    def k(x_hbm, idx_hbm, out_hbm, idx_v, buf0, buf1, sem0, sem1):
        wid = lax.axis_index("s") * nc + lax.axis_index("c")
        base = wid * rpw
        pltpu.sync_copy(idx_hbm.at[pl.ds(base, rpw)], idx_v)

        bufs = (buf0, buf1)
        sems = (sem0, sem1)

        pltpu.async_copy(x_hbm.at[idx_v.at[pl.ds(0, chunk)]], buf0, sem0)

        def body(j, carry):
            slot = lax.rem(j, 2)

            def do(s):
                @pl.when(j + 1 < n_chunks)
                def _():
                    pltpu.async_copy(
                        x_hbm.at[idx_v.at[pl.ds((j + 1) * chunk, chunk)]],
                        bufs[1 - s],
                        sems[1 - s],
                    )

                pltpu.make_async_copy(
                    x_hbm.at[idx_v.at[pl.ds(j * chunk, chunk)]],
                    bufs[s],
                    sems[s],
                ).wait()
                pltpu.sync_copy(bufs[s], out_hbm.at[pl.ds(base + j * chunk, chunk)])

            @pl.when(slot == 0)
            def _():
                do(0)

            @pl.when(slot == 1)
            def _():
                do(1)

            return carry

        lax.fori_loop(0, n_chunks, body, 0)

    return k(x2, gidx)


def kernel(x):
    b, l, d = x.shape
    idx = _jitter_index(l)
    gidx = (jnp.arange(b, dtype=jnp.int32)[:, None] * l + idx[None, :]).reshape(-1)
    x2 = x.reshape(b * l, d)
    out = _sc_row_gather(x2, gidx, chunk=16)
    return out.reshape(b, l, d)

# --- scband reference (transcript-rebuilt; emitter-appended) ---
"""Pipeline reference for scband-jitter-65884798320934 (READ-ONLY COPY).

The authoritative reference and input builder live on the scoring server;
editing this copy changes nothing except your own understanding.
"""

import jax, jax.numpy as jnp
import numpy as np

PROB = 0.12

def _jitter_index(l):
    # Deterministic stand-in for torch.bernoulli draws in training mode.
    k1, k2 = jax.random.split(jax.random.key(42))
    index = jnp.arange(l, dtype=jnp.float32)
    change = jax.random.bernoulli(k1, PROB * 2.0, (l,)).astype(jnp.float32)
    shift = jax.random.bernoulli(k2, 0.5, (l,)).astype(jnp.float32) * 2.0 - 1.0
    index = index + change * shift
    index = jnp.clip(index.astype(jnp.int32), 0, l - 1)
    return index

def setup_inputs(seed: int = 0) -> dict:
    key = jax.random.key(seed)
    x = jax.random.normal(key, (4, 8192, 2048), dtype=jnp.float32)
    return {"x": x}

def reference(x):
    # Training-mode path of Jitter: randomly shift each time index by +/-1
    # with probability 2*prob, then gather along the sequence dimension.
    _, l, _ = x.shape
    index = _jitter_index(l)
    return jnp.take(x, index, axis=1)

if __name__ == "__main__":
    import jax
    _d = setup_inputs()
    print(jax.jit(kernel)(*tuple(_d.values())))

</pallas_src>

<mosaic_0001>
#map = affine_map<(d0, d1) -> (0, 0)>
#map1 = affine_map<(d0, d1) -> (0)>
module attributes {stable_mosaic.version = 14 : i64} {
  func.func @k(%arg0: i32, %arg1: i32, %arg2: memref<32768x2048xf32, #tpu.memory_space<hbm>>, %arg3: memref<32768xi32, #tpu.memory_space<hbm>>, %arg4: memref<32768x2048xf32, #tpu.memory_space<hbm>>, %arg5: memref<1024xi32, #tpu.memory_space<vmem>>, %arg6: memref<16x2048xf32, #tpu.memory_space<vmem>>, %arg7: memref<16x2048xf32, #tpu.memory_space<vmem>>, %arg8: memref<!tpu.dma_semaphore, #tpu.memory_space<semaphore_mem>>, %arg9: memref<!tpu.dma_semaphore, #tpu.memory_space<semaphore_mem>>) attributes {dimension_semantics = [#tpu.dimension_semantics<core_parallel>, #tpu.dimension_semantics<subcore_parallel>], iteration_bounds = array<i64: 2, 16>, scalar_prefetch = 0 : i64, scratch_operands = 5 : i64, tpu.core_type = #tpu.core_type<sc_vector_subcore>, window_params = [{transform_indices = #map}, {transform_indices = #map1}, {transform_indices = #map}]} {
    %mul3A = arith.constant 2 : i32
    %mul3A_0 = arith.muli %arg1, %mul3A : i32
    %add3A = arith.addi %mul3A_0, %arg0 : i32
    %mul3A_1 = arith.constant 1024 : i32
    %mul3A_2 = arith.muli %add3A, %mul3A_1 : i32
    "tpu.region"() ({
      %run_scoped3A = tpu.sem_alloc : memref<!tpu.dma_semaphore, #tpu.memory_space<semaphore_mem>>
      %dma_start3A_12 = tpu.memref_slice %arg3[%mul3A_2] : memref<32768xi32, #tpu.memory_space<hbm>> -> memref<1024xi32, #tpu.memory_space<hbm>>
      %dma_start3A_13 = tpu.memref_slice %arg3[%mul3A_2] : memref<32768xi32, #tpu.memory_space<hbm>> -> memref<1024xi32, #tpu.memory_space<hbm>>
      tpu.enqueue_dma source(%dma_start3A_13 : memref<1024xi32, #tpu.memory_space<hbm>>) target(%arg5 : memref<1024xi32, #tpu.memory_space<vmem>>) target_semaphore(%run_scoped3A : memref<!tpu.dma_semaphore, #tpu.memory_space<semaphore_mem>>)
      %dma_wait3A = tpu.memref_slice %arg3[%mul3A_2] : memref<32768xi32, #tpu.memory_space<hbm>> -> memref<1024xi32, #tpu.memory_space<hbm>>
      %dma_wait3A_14 = tpu.memref_slice %arg3[%mul3A_2] : memref<32768xi32, #tpu.memory_space<hbm>> -> memref<1024xi32, #tpu.memory_space<hbm>>
      tpu.wait_dma2 semaphore(%run_scoped3A : memref<!tpu.dma_semaphore, #tpu.memory_space<semaphore_mem>>) src(%dma_wait3A_14 : memref<1024xi32, #tpu.memory_space<hbm>>) dst(%arg5 : memref<1024xi32, #tpu.memory_space<vmem>>)
      tpu.yield
    }) : () -> ()
    %dma_start3A = arith.constant 0 : i32
    %dma_start3A_3 = tpu.memref_slice %arg5[%dma_start3A] : memref<1024xi32, #tpu.memory_space<vmem>> -> memref<16xi32, #tpu.memory_space<vmem>>
    %dma_start3A_4 = arith.constant 0 : i32
    %dma_start3A_5 = arith.constant 0 : i32
    %dma_start3A_6 = tpu.memref_slice %arg2[%dma_start3A_4, %dma_start3A_5] : memref<32768x2048xf32, #tpu.memory_space<hbm>> -> memref<32768x2048xf32, #tpu.memory_space<hbm>>
    tpu.enqueue_indirect_dma source(%dma_start3A_6 : memref<32768x2048xf32, #tpu.memory_space<hbm>>) target(%arg6 : memref<16x2048xf32, #tpu.memory_space<vmem>>) offsets(%dma_start3A_3 : memref<16xi32, #tpu.memory_space<vmem>>) semaphore(%arg8 : memref<!tpu.dma_semaphore, #tpu.memory_space<semaphore_mem>>)
    %scan3A = arith.constant 0 : i32
    %scan3A_7 = arith.constant 0 : i32
    %scan3A_8 = arith.constant 64 : i32
    %scan3A_9 = arith.addi %scan3A_7, %scan3A_8 : i32
    %scan3A_10 = arith.constant 1 : i32
    scf.for %scan3A_12 = %scan3A_7 to %scan3A_9 step %scan3A_10  : i32 {
      %rem3A = arith.constant 2 : i32
      %rem3A_13 = arith.remsi %scan3A_12, %rem3A : i32
      %eq3A = arith.constant 0 : i32
      %eq3A_14 = arith.cmpi eq, %rem3A_13, %eq3A : i32
      %convert_element_type3A = arith.extui %eq3A_14 : i1 to i32
      %cond3A = arith.constant 0 : i32
      %cond3A_15 = arith.cmpi ne, %convert_element_type3A, %cond3A : i32
      scf.if %cond3A_15 {
        %add3A_21 = arith.constant 1 : i32
        %add3A_22 = arith.addi %scan3A_12, %add3A_21 : i32
        %lt3A = arith.constant 64 : i32
        %lt3A_23 = arith.cmpi slt, %add3A_22, %lt3A : i32
        %convert_element_type3A_24 = arith.extui %lt3A_23 : i1 to i32
        %cond3A_25 = arith.constant 0 : i32
        %cond3A_26 = arith.cmpi ne, %convert_element_type3A_24, %cond3A_25 : i32
        scf.if %cond3A_26 {
          %add3A_35 = arith.constant 1 : i32
          %add3A_36 = arith.addi %scan3A_12, %add3A_35 : i32
          %mul3A_37 = arith.constant 16 : i32
          %mul3A_38 = arith.muli %add3A_36, %mul3A_37 : i32
          %dma_start3A_39 = tpu.memref_slice %arg5[%mul3A_38] : memref<1024xi32, #tpu.memory_space<vmem>> -> memref<16xi32, #tpu.memory_space<vmem>>
          %dma_start3A_40 = arith.constant 0 : i32
          %dma_start3A_41 = arith.constant 0 : i32
          %dma_start3A_42 = tpu.memref_slice %arg2[%dma_start3A_40, %dma_start3A_41] : memref<32768x2048xf32, #tpu.memory_space<hbm>> -> memref<32768x2048xf32, #tpu.memory_space<hbm>>
          tpu.enqueue_indirect_dma source(%dma_start3A_42 : memref<32768x2048xf32, #tpu.memory_space<hbm>>) target(%arg7 : memref<16x2048xf32, #tpu.memory_space<vmem>>) offsets(%dma_start3A_39 : memref<16xi32, #tpu.memory_space<vmem>>) semaphore(%arg9 : memref<!tpu.dma_semaphore, #tpu.memory_space<semaphore_mem>>)
        } else {
        }
        %mul3A_27 = arith.constant 16 : i32
        %mul3A_28 = arith.muli %scan3A_12, %mul3A_27 : i32
        %dma_wait3A = tpu.memref_slice %arg5[%mul3A_28] : memref<1024xi32, #tpu.memory_space<vmem>> -> memref<16xi32, #tpu.memory_space<vmem>>
        %dma_wait3A_29 = arith.constant 0 : i32
        %dma_wait3A_30 = arith.constant 0 : i32
        %dma_wait3A_31 = tpu.memref_slice %arg2[%dma_wait3A_29, %dma_wait3A_30] : memref<32768x2048xf32, #tpu.memory_space<hbm>> -> memref<32768x2048xf32, #tpu.memory_space<hbm>>
        tpu.wait_indirect_dma semaphore(%arg8 : memref<!tpu.dma_semaphore, #tpu.memory_space<semaphore_mem>>) src(%dma_wait3A_31 : memref<32768x2048xf32, #tpu.memory_space<hbm>>) dst(%arg6 : memref<16x2048xf32, #tpu.memory_space<vmem>>)
        %mul3A_32 = arith.constant 16 : i32
        %mul3A_33 = arith.muli %scan3A_12, %mul3A_32 : i32
        %add3A_34 = arith.addi %mul3A_2, %mul3A_33 : i32
        "tpu.region"() ({
          %run_scoped3A = tpu.sem_alloc : memref<!tpu.dma_semaphore, #tpu.memory_space<semaphore_mem>>
          %dma_start3A_35 = arith.constant 0 : i32
          %dma_start3A_36 = tpu.memref_slice %arg4[%add3A_34, %dma_start3A_35] : memref<32768x2048xf32, #tpu.memory_space<hbm>> -> memref<16x2048xf32, #tpu.memory_space<hbm>>
          %dma_start3A_37 = arith.constant 0 : i32
          %dma_start3A_38 = tpu.memref_slice %arg4[%add3A_34, %dma_start3A_37] : memref<32768x2048xf32, #tpu.memory_space<hbm>> -> memref<16x2048xf32, #tpu.memory_space<hbm>>
          tpu.enqueue_dma source(%arg6 : memref<16x2048xf32, #tpu.memory_space<vmem>>) target(%dma_start3A_38 : memref<16x2048xf32, #tpu.memory_space<hbm>>) target_semaphore(%run_scoped3A : memref<!tpu.dma_semaphore, #tpu.memory_space<semaphore_mem>>)
          %dma_wait3A_39 = arith.constant 0 : i32
          %dma_wait3A_40 = tpu.memref_slice %arg4[%add3A_34, %dma_wait3A_39] : memref<32768x2048xf32, #tpu.memory_space<hbm>> -> memref<16x2048xf32, #tpu.memory_space<hbm>>
          %dma_wait3A_41 = arith.constant 0 : i32
          %dma_wait3A_42 = tpu.memref_slice %arg4[%add3A_34, %dma_wait3A_41] : memref<32768x2048xf32, #tpu.memory_space<hbm>> -> memref<16x2048xf32, #tpu.memory_space<hbm>>
          tpu.wait_dma2 semaphore(%run_scoped3A : memref<!tpu.dma_semaphore, #tpu.memory_space<semaphore_mem>>) src(%arg6 : memref<16x2048xf32, #tpu.memory_space<vmem>>) dst(%dma_wait3A_42 : memref<16x2048xf32, #tpu.memory_space<hbm>>)
          tpu.yield
        }) : () -> ()
      } else {
      }
      %eq3A_16 = arith.constant 1 : i32
      %eq3A_17 = arith.cmpi eq, %rem3A_13, %eq3A_16 : i32
      %convert_element_type3A_18 = arith.extui %eq3A_17 : i1 to i32
      %cond3A_19 = arith.constant 0 : i32
      %cond3A_20 = arith.cmpi ne, %convert_element_type3A_18, %cond3A_19 : i32
      scf.if %cond3A_20 {
        %add3A_21 = arith.constant 1 : i32
        %add3A_22 = arith.addi %scan3A_12, %add3A_21 : i32
        %lt3A = arith.constant 64 : i32
        %lt3A_23 = arith.cmpi slt, %add3A_22, %lt3A : i32
        %convert_element_type3A_24 = arith.extui %lt3A_23 : i1 to i32
        %cond3A_25 = arith.constant 0 : i32
        %cond3A_26 = arith.cmpi ne, %convert_element_type3A_24, %cond3A_25 : i32
        scf.if %cond3A_26 {
          %add3A_35 = arith.constant 1 : i32
          %add3A_36 = arith.addi %scan3A_12, %add3A_35 : i32
          %mul3A_37 = arith.constant 16 : i32
          %mul3A_38 = arith.muli %add3A_36, %mul3A_37 : i32
          %dma_start3A_39 = tpu.memref_slice %arg5[%mul3A_38] : memref<1024xi32, #tpu.memory_space<vmem>> -> memref<16xi32, #tpu.memory_space<vmem>>
          %dma_start3A_40 = arith.constant 0 : i32
          %dma_start3A_41 = arith.constant 0 : i32
          %dma_start3A_42 = tpu.memref_slice %arg2[%dma_start3A_40, %dma_start3A_41] : memref<32768x2048xf32, #tpu.memory_space<hbm>> -> memref<32768x2048xf32, #tpu.memory_space<hbm>>
          tpu.enqueue_indirect_dma source(%dma_start3A_42 : memref<32768x2048xf32, #tpu.memory_space<hbm>>) target(%arg6 : memref<16x2048xf32, #tpu.memory_space<vmem>>) offsets(%dma_start3A_39 : memref<16xi32, #tpu.memory_space<vmem>>) semaphore(%arg8 : memref<!tpu.dma_semaphore, #tpu.memory_space<semaphore_mem>>)
        } else {
        }
        %mul3A_27 = arith.constant 16 : i32
        %mul3A_28 = arith.muli %scan3A_12, %mul3A_27 : i32
        %dma_wait3A = tpu.memref_slice %arg5[%mul3A_28] : memref<1024xi32, #tpu.memory_space<vmem>> -> memref<16xi32, #tpu.memory_space<vmem>>
        %dma_wait3A_29 = arith.constant 0 : i32
        %dma_wait3A_30 = arith.constant 0 : i32
        %dma_wait3A_31 = tpu.memref_slice %arg2[%dma_wait3A_29, %dma_wait3A_30] : memref<32768x2048xf32, #tpu.memory_space<hbm>> -> memref<32768x2048xf32, #tpu.memory_space<hbm>>
        tpu.wait_indirect_dma semaphore(%arg9 : memref<!tpu.dma_semaphore, #tpu.memory_space<semaphore_mem>>) src(%dma_wait3A_31 : memref<32768x2048xf32, #tpu.memory_space<hbm>>) dst(%arg7 : memref<16x2048xf32, #tpu.memory_space<vmem>>)
        %mul3A_32 = arith.constant 16 : i32
        %mul3A_33 = arith.muli %scan3A_12, %mul3A_32 : i32
        %add3A_34 = arith.addi %mul3A_2, %mul3A_33 : i32
        "tpu.region"() ({
          %run_scoped3A = tpu.sem_alloc : memref<!tpu.dma_semaphore, #tpu.memory_space<semaphore_mem>>
          %dma_start3A_35 = arith.constant 0 : i32
          %dma_start3A_36 = tpu.memref_slice %arg4[%add3A_34, %dma_start3A_35] : memref<32768x2048xf32, #tpu.memory_space<hbm>> -> memref<16x2048xf32, #tpu.memory_space<hbm>>
          %dma_start3A_37 = arith.constant 0 : i32
          %dma_start3A_38 = tpu.memref_slice %arg4[%add3A_34, %dma_start3A_37] : memref<32768x2048xf32, #tpu.memory_space<hbm>> -> memref<16x2048xf32, #tpu.memory_space<hbm>>
          tpu.enqueue_dma source(%arg7 : memref<16x2048xf32, #tpu.memory_space<vmem>>) target(%dma_start3A_38 : memref<16x2048xf32, #tpu.memory_space<hbm>>) target_semaphore(%run_scoped3A : memref<!tpu.dma_semaphore, #tpu.memory_space<semaphore_mem>>)
          %dma_wait3A_39 = arith.constant 0 : i32
          %dma_wait3A_40 = tpu.memref_slice %arg4[%add3A_34, %dma_wait3A_39] : memref<32768x2048xf32, #tpu.memory_space<hbm>> -> memref<16x2048xf32, #tpu.memory_space<hbm>>
          %dma_wait3A_41 = arith.constant 0 : i32
          %dma_wait3A_42 = tpu.memref_slice %arg4[%add3A_34, %dma_wait3A_41] : memref<32768x2048xf32, #tpu.memory_space<hbm>> -> memref<16x2048xf32, #tpu.memory_space<hbm>>
          tpu.wait_dma2 semaphore(%run_scoped3A : memref<!tpu.dma_semaphore, #tpu.memory_space<semaphore_mem>>) src(%arg7 : memref<16x2048xf32, #tpu.memory_space<vmem>>) dst(%dma_wait3A_42 : memref<16x2048xf32, #tpu.memory_space<hbm>>)
          tpu.yield
        }) : () -> ()
      } else {
      }
    }
    %scan3A_11 = arith.constant 64 : i32
    return
  }
}

</mosaic_0001>

<sc_bundles>
// kernel: kernel.3.cloned.1.call-start
scs
__scs_entry_jumppad:
0x0: {  	(pc) =	sbr.rel $0x88, $3  }
0x1: {  	(tag) =	ssettag $0x0;
	lr =	simm.s32 $0x1  }
0x2: {  	[smem:$0x3FA0] =	sst lr;
	_ =	strace $0xD0000000  }
0x3: {  	_ = 	snop  }
0x4: {  	_ = 	snop  }
0x5: {  	_ = 	snop  }
0x6: {  	_ = 	snop  }
0x7: {  	_ = 	snop  }
__scs_overlays_trampoline_lowered:
0x8: {  	[smem:$0x3FAF] =	sst s0  }
0x9: {  	[smem:$0x3FB0] =	sst s1  }
0xa: {  	[smem:$0x3FB1] =	sst s2  }
0xb: {  	[smem:$0x3FB2] =	sst s3  }
0xc: {  	[smem:$0x3FB3] =	sst s4  }
0xd: {  	[smem:$0x3FB4] =	sst s5  }
0xe: {  	[smem:$0x3FB5] =	sst s6  }
0xf: {  	[smem:$0x3FB6] =	sst s7  }
0x10: {  	[smem:$0x3FB7] =	sst s8  }
0x11: {  	[smem:$0x3FB8] =	sst s9;
	s0 =	simm.s32 @!p0 $0x0  }
0x12: {  	s1 =	sld [smem:$0x3F9E];
	s0 =	simm.s32 @p0 $0x1  }
0x13: {  	[smem:$0x3FB9] =	sst s0;
	s0 =	simm.s32 @!p1 $0x0  }
0x14: {  	s2 =	sld [smem:$0x3F9D];
	s0 =	simm.s32 @p1 $0x1  }
0x15: {  	[smem:$0x3FBA] =	sst s0;
	s0 =	simm.s32 @!p2 $0x0  }
0x16: {  	s3 =	sld [smem:$0x3FDB];
	s0 =	simm.s32 @p2 $0x1  }
0x17: {  	s4 =	simm.s32 $0x1BF5;
	[smem:$0x3FBC] =	sst s0  }
0x18: {  	s0 =	sld [smem:$0x3F9F];
	_ =	swait.ge [sflag:s4], $0x0  }
0x19: {  	s7 =	sld [smem:$0x3FA0]  }
0x1a: {  	s8 =	sadd.s32 $0xFFFFE003, lr  }
0x1b: {  	s9 =	sadd.s32 $0xFFFFFEF7, lr;
	s5 =	simm.s32 $0xFFFFFFFF;
	p2 =	slt.u32 s8, $0xFFFFF086  }
0x1c: {  	p1 =	slt.u32 s9, $0xF7A;
	s5 =	simm.s32 @!p2 $0x0  }
0x1d: {  	s5 =	simm.s32 @p1 $0x1;
	p0 =	seq.s32 s7, s2  }
0x1e: {  	s7 =	smul.u32 @!p0 $0xF7A, s2;
	p2 =	seq.s32 @!p0 s5, $0x0  }
0x1f: {  	s9 =	smul.u32 $0xF7A, s1;
	s8 =	simm.s32 @!p0 $0x1BF5;
	p2 =	por !p2, p0  }
0x20: {  	[sflag:s8] =	ssyncset.s32 @!p0 $0xFFFFF086;
	s6 =	sadd.s32 @!p0 s3, s7;
	s7 =	simm.s32 @!p0 $0x108  }
0x21: {  	s3 =	sadd.s32 s3, s9;
	s6 =	sadd.s32 @!p0 $0x88, s6;
	s7 =	simm.s32 @p2 $0x1082  }
0x22: {  	[simem:s7], [sflag:s8] =	dma.local @!p0 [hbm:s6], $0xF7A  }
0x23: {  	s9 =	sor.u32 $0xD0000000, s2;
	s6 =	simm.s32 $0x108;
	_ =	swait.ge @!p0 [sflag:s8], $0x0  }
0x24: {  	s3 =	sadd.s32 $0x88, s3;
	s6 =	simm.s32 @!p1 $0x1082;
	[sflag:s4] =	ssyncset.s32 $0xFFFFF086  }
0x25: {  	[simem:s6], [sflag:s4] =	dma.local [hbm:s3], $0xF7A  }
0x26: {  	[smem:$0x3FA0] =	sst s1;
	(tag) =	ssettag s2;
	_ =	strace s9  }
0x27: {  	s1 =	sld [smem:$0x3FB0]  }
0x28: {  	s2 =	sld [smem:$0x3FB1]  }
0x29: {  	s4 =	sld [smem:$0x3FB3]  }
0x2a: {  	p0 =	seq.s32 s5, $0x0;
	s5 =	sld [smem:$0x3FB4]  }
0x2b: {  	s6 =	sld [smem:$0x3FB5]  }
0x2c: {  	s7 =	sld [smem:$0x3FB6]  }
0x2d: {  	s3 =	simm.s32 $0x108;
	s8 =	sld [smem:$0x3FB7]  }
0x2e: {  	s3 =	simm.s32 @!p0 $0x1082;
	s9 =	sld [smem:$0x3FB8]  }
0x2f: {  	lr =	sadd.s32 s0, s3;
	s0 =	sld [smem:$0x3FAF]  }
0x30: {  	s3 =	sld [smem:$0x3FB2]  }
0x31: {  	[smem:$0x3FBB] =	sst s10  }
0x32: {  	s10 =	sld [smem:$0x3FB9];
	_ =	sdelay $0x3  }
0x33: {  	p0 =	seq.s32 s10, $0x1;
	s10 =	sld [smem:$0x3FBB];
	_ =	sdelay $0x3  }
0x34: {  	[smem:$0x3FBB] =	sst s10  }
0x35: {  	s10 =	sld [smem:$0x3FBA];
	_ =	sdelay $0x3  }
0x36: {  	p1 =	seq.s32 s10, $0x1;
	s10 =	sld [smem:$0x3FBB];
	_ =	sdelay $0x3  }
0x37: {  	[smem:$0x3FBB] =	sst s10  }
0x38: {  	s10 =	sld [smem:$0x3FBC]  }
0x39: {  	_ = 	snop;
	(pc) =	sbr.ind lr, $3  }
0x3a: {  	_ = 	snop  }
0x3b: {  	_ = 	snop  }
0x3c: {  	p2 =	seq.s32 s10, $0x1;
	s10 =	sld [smem:$0x3FBB]  }
0x3d: {  	_ =	shalt  }
0x3e: {  	_ =	shalt  }
0x3f: {  	_ =	shalt  }
0x40: {  	_ =	shalt  }
0x41: {  	_ =	shalt  }
0x42: {  	_ =	shalt  }
0x43: {  	_ =	shalt  }
0x44: {  	_ =	shalt  }
0x45: {  	_ =	shalt  }
0x46: {  	_ =	shalt  }
0x47: {  	_ =	shalt  }
0x48: {  	_ =	shalt  }
0x49: {  	_ =	shalt  }
0x4a: {  	_ =	shalt  }
0x4b: {  	_ =	shalt  }
0x4c: {  	_ =	shalt  }
0x4d: {  	_ =	shalt  }
0x4e: {  	_ =	shalt  }
0x4f: {  	_ =	shalt  }
0x50: {  	_ =	shalt  }
0x51: {  	_ =	shalt  }
0x52: {  	_ =	shalt  }
0x53: {  	_ =	shalt  }
0x54: {  	_ =	shalt  }
0x55: {  	_ =	shalt  }
0x56: {  	_ =	shalt  }
0x57: {  	_ =	shalt  }
0x58: {  	_ =	shalt  }
0x59: {  	_ =	shalt  }
0x5a: {  	_ =	shalt  }
0x5b: {  	_ =	shalt  }
0x5c: {  	_ =	shalt  }
0x5d: {  	_ =	shalt  }
0x5e: {  	_ =	shalt  }
0x5f: {  	_ =	shalt  }
0x60: {  	_ =	shalt  }
0x61: {  	_ =	shalt  }
0x62: {  	_ =	shalt  }
0x63: {  	_ =	shalt  }
0x64: {  	_ =	shalt  }
0x65: {  	_ =	shalt  }
0x66: {  	_ =	shalt  }
0x67: {  	_ =	shalt  }
0x68: {  	_ =	shalt  }
0x69: {  	_ =	shalt  }
0x6a: {  	_ =	shalt  }
0x6b: {  	_ =	shalt  }
0x6c: {  	_ =	shalt  }
0x6d: {  	_ =	shalt  }
0x6e: {  	_ =	shalt  }
0x6f: {  	_ =	shalt  }
0x70: {  	_ =	shalt  }
0x71: {  	_ =	shalt  }
0x72: {  	_ =	shalt  }
0x73: {  	_ =	shalt  }
0x74: {  	_ =	shalt  }
0x75: {  	_ =	shalt  }
0x76: {  	_ =	shalt  }
0x77: {  	_ =	shalt  }
0x78: {  	_ =	shalt  }
0x79: {  	_ =	shalt  }
0x7a: {  	_ =	shalt  }
0x7b: {  	_ =	shalt  }
0x7c: {  	_ =	shalt  }
0x7d: {  	_ =	shalt  }
0x7e: {  	_ =	shalt  }
0x7f: {  	_ =	shalt  }
0x80: {  	_ =	shalt  }
0x81: {  	_ =	shalt  }
0x82: {  	_ =	shalt  }
0x83: {  	_ =	shalt  }
0x84: {  	_ =	shalt  }
0x85: {  	_ =	shalt  }
0x86: {  	_ =	shalt  }
0x87: {  	_ =	shalt  }
.Lfunc_end0:
.L_simem_size_0:
called_computation_lowered:
.L_overlay_start_0:
0x88: {  	s2 =	sld [smem:$0x3FD9]  }
0x89: {  	s3 =	sld [smem:$0x3FFE];
	_ =	sdelay $0x1  }
0x8a: {  	s1 =	srdreg.scid  }
0x8b: {  	s0 =	sand.u32 $0x1, s1  }
0x8c: {  	s17 =	sshll.u32 s0, $0xA;
	s2 =	sadd.s32 s3, s2  }
0x8d: {  	s2 =	sadd.s32 s2, s17  }
0x8e: {  	[smem:$0x3FC7] =	sst s2  }
0x8f: {  	_ = 	snop  }
0x90: {  	s2 =	sld [smem:$0x3FC9]  }
0x91: {  	s18 =	sld [smem:$0x3FD0];
	(tm) =	ssettm $0x1  }
0x92: {  	s4 =	sld [smem:$0x3FFB];
	_ =	sdelay $0x3  }
0x93: {  	_ =	strace s4  }
0x94: {  	s4 =	sld [smem:$0x3FFC];
	_ =	sdelay $0x3  }
0x95: {  	_ =	strace s4  }
0x96: {  	s4 =	sld [smem:$0x3FFD];
	_ =	sdelay $0x3  }
0x97: {  	_ =	strace s4  }
0x98: {  	_ =	strace $0x8FFFFFFF  }
0x99: {  	s19 =	sld [smem:$0x3FDB];
	_ =	sdelay $0x1  }
0x9a: {  	s5 =	simm.s32 $_scs_section_size  }
0x9b: {  	s6 =	simm.s32 $_size__tile_overlayer_lowered;
	s7 =	simm.s32 $_tile_overlayer_lowered  }
0x9c: {  	s22 =	simm.s32 $0x1BFF;
	s21 =	sshll.u32 s7, $0x1;
	s4 =	sadd.s32 s5, s19  }
0x9d: {  	s8 =	simm.s32 $0x0;
	s20 =	sshll.u32 s6, $0x1;
	s6 =	sadd.s32 s21, s4  }
0x9e: {  	[timem:s8], [sflag:s22] =	dma.local [hbm:s6], s20  }
0x9f: {  	_ =	swait.ge [sflag:s22], s20  }
0xa0: {  	s5 =	ssub.s32 $0x0, s20;
	[sflag:s22] =	ssyncset.done $0x0  }
0xa1: {  	[sflag:s22] =	ssyncadd.s32 s5;
	_ =	sdelay $0x1  }
0xa2: {  	s23 =	simm.s32 $0x1B8B  }
0xa3: {  	_ =	swait.ge [sflag:s23], $0x1  }
0xa4: {  	[sflag:s23] =	ssyncset.done $0x0  }
0xa5: {  	s25 =	simm.s32 $0x1B8E;
	s24 =	sld [smem:$0x3FFE];
	[sflag:s23] =	ssyncadd.s32 $0xFFFFFFFF  }
0xa6: {  	s26 =	simm.s32 $execute0_lowered;
	[smem:$0x3FD2] =	sst s25  }
0xa7: {  	s6 =	sshll.u32 s26, $0x1;
	_ =	strace $0x80000046;
	[dreg:$0x1] =	wrdreg $0xFFFFFFFF  }
0xa8: {  	s28 =	simm.s32 $_size_execute0_lowered;
	s4 =	sadd.s32 s4, s6;
	[dreg:$0x0] =	wrdreg $0x0  }
0xa9: {  	s6 =	sshll.u32 s28, $0x1;
	[dreg:$0x2] =	wrdreg s4  }
0xaa: {  	[dreg:$0x3] =	wrdreg s6  }
0xab: {  	[dreg:$0x4] =	wrdreg $0xC0  }
0xac: {  	_ =	task [dreg:s8], $0x5FFFF  }
0xad: {  	[dreg:$0x1] =	wrdreg $0xFFFFFFFF  }
0xae: {  	[dreg:$0x0] =	wrdreg $0x60  }
0xaf: {  	[dreg:$0x2] =	wrdreg s2  }
0xb0: {  	[dreg:$0x3] =	wrdreg s24  }
0xb1: {  	[dreg:$0x4] =	wrdreg s18  }
0xb2: {  	[dreg:$0x5] =	wrdreg $0x9  }
0xb3: {  	_ =	task.clear_ibuf [dreg:s8], $0x6FFFF;
	_ =	strace $0x90000046  }
0xb4: {  	s29 =	simm.s32 $0x9;
	_ =	strace $0x80000048  }
0xb5: {  	_ =	swait.ge [sflag:s29], $0x1  }
0xb6: {  	[sflag:s29] =	ssyncadd.s32 $0xFFFFFFFF  }
0xb7: {  	_ =	strace $0x90000048  }
0xb8: {  	_ =	sfence  }
0xb9: {  	s30 =	sld [smem:$0x0];
	_ =	sdelay $0x2  }
0xba: {  	s31 =	sshll.u32 s1, $0xD;
	s1 =	sshrl.u32 s1, $0x2  }
0xbb: {  	s3 =	sand.u32 $0x4000, s31;
	s1 =	sadd.s32 s1, s30  }
0xbc: {  	s0 =	sor.u32 s3, s0;
	s1 =	sshll.u32 s1, $0x11  }
0xbd: {  	s0 =	sor.u32 s1, s0  }
0xbe: {  	s0 =	sadd.s32 $0x8F2B, s0  }
0xbf: {  	[sflag:s0] =	ssyncadd.remote.s32 $0x1  }
0xc0: {  	_ =	sfence.sel $0xFFFF  }
0xc1: {  	[dreg:$0x0] =	wrdreg $0xFFFFFFFF;
	(pc) =	sbr.abs _section_cstart, $3  }
0xc2: {  	[dreg:$0x1] =	wrdreg $0xFFFFFFFF  }
0xc3: {  	_ =	task.clear_ibuf [dreg:s8], $0x2FFFF;
	_ =	strace $0x9FFFFFFF  }
0xc4: {  	(tm) =	ssettm $0x7FFFFFFF  }
0xc5: {  	_ =	shalt  }
tec
execute0_lowered:
.L_overlay_start_1:
0x0: {  	(tag) =	ssettag $0x1  }
0x1: {  	s1 =	rddreg [dreg:$0x0];
	s0 =	srdreg.scid  }
0x2: {  	s2 =	rddreg [dreg:$0x1];
	s10 =	stileid.u32  }
0x3: {  	s4 =	rddreg [dreg:$0x2];
	s16 =	simm.s32 $0x9400;
	s17 =	simm.s32 $0x9C00  }
0x4: {  	s18 =	simm.s32 $0xA400;
	s19 =	simm.s32 $0xAC00;
	s20 =	simm.s32 $0xB400  }
0x5: {  	s21 =	simm.s32 $0xBC00;
	s22 =	simm.s32 $0xC400;
	s23 =	simm.s32 $0xCC00  }
0x6: {  	s28 =	simm.s32 $0xEC00;
	s29 =	simm.s32 $0xF400;
	s30 =	simm.s32 $0xFC00  }
0x7: {  	s31 =	simm.s32 $0x1;
	s0 =	sand.u32 $0x1, s0;
	s3 =	sshll.u32 s10, $0xB  }
0x8: {  	s7 =	sadd.s32 $0x300, s1;
	s8 =	sadd.s32 $0x400, s1;
	s9 =	sadd.s32 $0x500, s1  }
0x9: {  	s25 =	sshll.u32 s10, $0x13;
	s10 =	sadd.s32 $0x600, s1;
	s11 =	sadd.s32 $0x700, s1  }
0xa: {  	s5 =	sshll.u32 s0, $0xA;
	s6 =	ssub.s32 $0x2, s0;
	s0 =	sshll.u32 s0, $0x12  }
0xb: {  	s5 =	sor.u32 s5, s3;
	s3 =	simm.s32 $0x0;
	s24 =	sshrl.u32 s6, $0x1  }
0xc: {  	s5 =	sshrl.u32 s5, $0x3;
	[smem:$0x7FF] =	sst s3;
	s12 =	ssub.s32 s6, s24  }
0xd: {  	s6 =	sadd.s32 $0x200, s1;
	s24 =	simm.s32 $0xD400;
	s2 =	sadd.s32 s5, s2  }
.Ltmp0:
0xe: {  	_ =	strace $0x80000047;
	s26 =	smax.u32 s12, $0x1;
	(pc) =	sbr.rel .LBB2_1-.Ltmp0, $4  }
0xf: {  	s5 =	sadd.s32 $0x100, s1;
	s2 =	sadd.s32 $0xC00, s2;
	[dreg:$0x5] =	wrdreg s26  }
0x10: {  	v2 =	vlaneseq.u32;
	s12 =	simm.s32 $0x0;
	[dreg:$0x4] =	wrdreg s2;
	s2 =	sadd.s32 s25, s4  }
0x11: {  	vm0 =	vmmov $0xffff;
	v1 =	vshrl.u32 v2, $0x3;
	s26 =	simm.s32 $0xE400;
	s25 =	simm.s32 $0xDC00;
	s0 =	sadd.s32 s0, s2  }
0x12: {  	v0 =	vand.u32 $0x7, v2;
	v2 =	vor.u32 $0x8, v2;
	v1 =	vmul.u32 $0x8, v1;
	s4 =	simm.s32 $0x2;
	s2 =	simm.s32 $0x8400;
	[dreg:$0x6] =	wrdreg s0  }
.LBB2_6:
0x13: {  	s12 =	rddreg [dreg:$0x7]  }
0x14: {  	s0 =	rddreg [dreg:$0x5];
	s12 =	sadd.s32 $0x1, s12  }
0x15: {  	p0 =	sne.s32 s12, s0  }
.Ltmp1:
0x16: {  	_ = 	snop;
	(pc) =	sbr.rel @!p0 .LBB2_7-.Ltmp1, $1  }
0x17: {  	_ =	sdelay $0x3  }
.LBB2_1:
0x18: {  	[dreg:$0x7] =	wrdreg s12  }
0x19: {  	s0 =	rddreg [dreg:$0x4];
	s15 =	simm.s32 $0x3  }
0x1a: {  	[tilespmem:s3], [sflag:$0x3] =	stream.linear.gather [hbm4b:s0+s3], $0x400, $0x38;
	[tilespmem:$0x10400] =	vst v63  }
0x1b: {  	_ =	swait.ge [sflag:s15], $0x400  }
0x1c: {  	[sflag:s15] =	ssyncset.done $0x0  }
0x1d: {  	[sflag:s15] =	ssyncadd.s32 $0xFFFFFC00  }
0x1e: {  	v3 =	vld [tilespmem:$0x0];
	_ =	sdelay $0x4  }
0x1f: {  	v4 =	vshll.u32 v3, $0x4  }
0x20: {  	v3 =	vand.u32 $0x7, v3;
	v4 =	vand.u32 $0xFFFFFF80, v4  }
0x21: {  	v3 =	vor.u32 v3, v4  }
0x22: {  	v4 =	vperm.xlane v3, v0;
	_ =	sdelay $0x1  }
0x23: {  	v4 =	vadd.s32 v1, v4;
	_ =	sdelay $0x3  }
0x24: {  	s12 =	simm.s32 $0x400  }
0x25: {  	[tilespmem:s12], [sflag:$0x1] =	stream.indirect_vreg.gather [hbm4b:s1+s3], $0x80, v4, vm0, $0xb8;
	[tilespmem:$0x10400] =	vst v63  }
0x26: {  	s13 =	simm.s32 $0xC00  }
0x27: {  	[tilespmem:s13], [sflag:$0x1] =	stream.indirect_vreg.gather [hbm4b:s5+s3], $0x80, v4, vm0, $0xb8;
	[tilespmem:$0x10400] =	vst v63  }
0x28: {  	s14 =	simm.s32 $0x1400  }
0x29: {  	[tilespmem:s14], [sflag:$0x1] =	stream.indirect_vreg.gather [hbm4b:s6+s3], $0x80, v4, vm0, $0xb8;
	[tilespmem:$0x10400] =	vst v63  }
0x2a: {  	s15 =	simm.s32 $0x1C00  }
0x2b: {  	[tilespmem:s15], [sflag:$0x1] =	stream.indirect_vreg.gather [hbm4b:s7+s3], $0x80, v4, vm0, $0xb8;
	[tilespmem:$0x10400] =	vst v63  }
0x2c: {  	s12 =	simm.s32 $0x2400  }
0x2d: {  	[tilespmem:s12], [sflag:$0x1] =	stream.indirect_vreg.gather [hbm4b:s8+s3], $0x80, v4, vm0, $0xb8;
	[tilespmem:$0x10400] =	vst v63  }
0x2e: {  	v3 =	vperm.xlane v3, v2;
	s13 =	simm.s32 $0x2C00  }
0x2f: {  	[tilespmem:s13], [sflag:$0x1] =	stream.indirect_vreg.gather [hbm4b:s9+s3], $0x80, v4, vm0, $0xb8;
	[tilespmem:$0x10400] =	vst v63  }
0x30: {  	v3 =	vadd.s32 v1, v3;
	s14 =	simm.s32 $0x3400  }
0x31: {  	[tilespmem:s14], [sflag:$0x1] =	stream.indirect_vreg.gather [hbm4b:s10+s3], $0x80, v4, vm0, $0xb8;
	[tilespmem:$0x10400] =	vst v63  }
0x32: {  	s15 =	simm.s32 $0x3C00  }
0x33: {  	[tilespmem:s15], [sflag:$0x1] =	stream.indirect_vreg.gather [hbm4b:s11+s3], $0x80, v4, vm0, $0xb8;
	[tilespmem:$0x10400] =	vst v63  }
0x34: {  	s12 =	simm.s32 $0x4400  }
0x35: {  	[tilespmem:s12], [sflag:$0x1] =	stream.indirect_vreg.gather [hbm4b:s1+s3], $0x80, v3, vm0, $0xb8;
	[tilespmem:$0x10400] =	vst v63  }
0x36: {  	s13 =	simm.s32 $0x4C00  }
0x37: {  	[tilespmem:s13], [sflag:$0x1] =	stream.indirect_vreg.gather [hbm4b:s5+s3], $0x80, v3, vm0, $0xb8;
	[tilespmem:$0x10400] =	vst v63  }
0x38: {  	s14 =	simm.s32 $0x5400  }
0x39: {  	[tilespmem:s14], [sflag:$0x1] =	stream.indirect_vreg.gather [hbm4b:s6+s3], $0x80, v3, vm0, $0xb8;
	[tilespmem:$0x10400] =	vst v63  }
0x3a: {  	s15 =	simm.s32 $0x5C00  }
0x3b: {  	[tilespmem:s15], [sflag:$0x1] =	stream.indirect_vreg.gather [hbm4b:s7+s3], $0x80, v3, vm0, $0xb8;
	[tilespmem:$0x10400] =	vst v63  }
0x3c: {  	s12 =	simm.s32 $0x6400  }
0x3d: {  	[tilespmem:s12], [sflag:$0x1] =	stream.indirect_vreg.gather [hbm4b:s8+s3], $0x80, v3, vm0, $0xb8;
	[tilespmem:$0x10400] =	vst v63  }
0x3e: {  	s13 =	simm.s32 $0x6C00  }
0x3f: {  	[tilespmem:s13], [sflag:$0x1] =	stream.indirect_vreg.gather [hbm4b:s9+s3], $0x80, v3, vm0, $0xb8;
	[tilespmem:$0x10400] =	vst v63  }
.Ltmp2:
0x40: {  	s14 =	simm.s32 $0x7400;
	(pc) =	sbr.rel .LBB2_2-.Ltmp2, $4  }
0x41: {  	[tilespmem:s14], [sflag:$0x1] =	stream.indirect_vreg.gather [hbm4b:s10+s3], $0x80, v3, vm0, $0xb8;
	[tilespmem:$0x10400] =	vst v63  }
0x42: {  	s15 =	simm.s32 $0x7C00  }
0x43: {  	[tilespmem:s15], [sflag:$0x1] =	stream.indirect_vreg.gather [hbm4b:s11+s3], $0x80, v3, vm0, $0xb8;
	[tilespmem:$0x10400] =	vst v63  }
0x44: {  	s13 =	simm.s32 $0x10;
	s14 =	rddreg [dreg:$0x6];
	s15 =	simm.s32 $0x0  }
.LBB2_4:
0x45: {  	p0 =	seq.s32 s15, $0x3F  }
0x46: {  	v3 =	vld @!p0 [tilespmem:s13+$0x0];
	_ =	sdelay $0x4  }
0x47: {  	v4 =	vshll.u32 @!p0 v3, $0x4  }
0x48: {  	v5 =	vlaneseq.u32 @!p0;
	v3 =	vand.u32 @!p0 $0x7, v3;
	v4 =	vand.u32 @!p0 $0xFFFFFF80, v4  }
0x49: {  	v6 =	vshrl.u32 @!p0 v5, $0x3;
	v3 =	vor.u32 @!p0 v3, v4;
	v4 =	vand.u32 @!p0 $0x7, v5  }
0x4a: {  	v6 =	vmul.u32 @!p0 $0x8, v6;
	v4 =	vperm.xlane @!p0 v3, v4;
	_ =	sdelay $0x1  }
0x4b: {  	v4 =	vadd.s32 @!p0 v6, v4;
	_ =	sdelay $0x3  }
0x4c: {  	vm1 =	vmmov @!p0 $0xffff;
	s12 =	simm.s32 @!p0 $0x0;
	s0 =	simm.s32 @!p0 $0x400  }
0x4d: {  	[tilespmem:s0], [sflag:$0x1] =	stream.indirect_vreg.gather @!p0 [hbm4b:s1+s12], $0x80, v4, vm1, $0xb8;
	[tilespmem:$0x10400] =	vst v63  }
0x4e: {  	s0 =	simm.s32 @!p0 $0xC00  }
0x4f: {  	[tilespmem:s0], [sflag:$0x1] =	stream.indirect_vreg.gather @!p0 [hbm4b:s5+s12], $0x80, v4, vm1, $0xb8;
	[tilespmem:$0x10400] =	vst v63  }
0x50: {  	s0 =	simm.s32 @!p0 $0x1400  }
0x51: {  	[tilespmem:s0], [sflag:$0x1] =	stream.indirect_vreg.gather @!p0 [hbm4b:s6+s12], $0x80, v4, vm1, $0xb8;
	[tilespmem:$0x10400] =	vst v63  }
0x52: {  	s0 =	simm.s32 @!p0 $0x1C00  }
0x53: {  	[tilespmem:s0], [sflag:$0x1] =	stream.indirect_vreg.gather @!p0 [hbm4b:s7+s12], $0x80, v4, vm1, $0xb8;
	[tilespmem:$0x10400] =	vst v63  }
0x54: {  	s0 =	simm.s32 @!p0 $0x2400  }
0x55: {  	v5 =	vor.u32 @!p0 $0x8, v5;
	[tilespmem:s0], [sflag:$0x1] =	stream.indirect_vreg.gather @!p0 [hbm4b:s8+s12], $0x80, v4, vm1, $0xb8;
	[tilespmem:$0x10400] =	vst v63  }
0x56: {  	v3 =	vperm.xlane @!p0 v3, v5;
	s0 =	simm.s32 @!p0 $0x2C00  }
0x57: {  	[tilespmem:s0], [sflag:$0x1] =	stream.indirect_vreg.gather @!p0 [hbm4b:s9+s12], $0x80, v4, vm1, $0xb8;
	[tilespmem:$0x10400] =	vst v63  }
0x58: {  	v3 =	vadd.s32 @!p0 v6, v3;
	s0 =	simm.s32 @!p0 $0x3400  }
0x59: {  	[tilespmem:s0], [sflag:$0x1] =	stream.indirect_vreg.gather @!p0 [hbm4b:s10+s12], $0x80, v4, vm1, $0xb8;
	[tilespmem:$0x10400] =	vst v63  }
0x5a: {  	s0 =	simm.s32 @!p0 $0x3C00  }
0x5b: {  	[tilespmem:s0], [sflag:$0x1] =	stream.indirect_vreg.gather @!p0 [hbm4b:s11+s12], $0x80, v4, vm1, $0xb8;
	[tilespmem:$0x10400] =	vst v63  }
0x5c: {  	s0 =	simm.s32 @!p0 $0x4400  }
0x5d: {  	[tilespmem:s0], [sflag:$0x1] =	stream.indirect_vreg.gather @!p0 [hbm4b:s1+s12], $0x80, v3, vm1, $0xb8;
	[tilespmem:$0x10400] =	vst v63  }
0x5e: {  	s0 =	simm.s32 @!p0 $0x4C00  }
0x5f: {  	[tilespmem:s0], [sflag:$0x1] =	stream.indirect_vreg.gather @!p0 [hbm4b:s5+s12], $0x80, v3, vm1, $0xb8;
	[tilespmem:$0x10400] =	vst v63  }
0x60: {  	s0 =	simm.s32 @!p0 $0x5400  }
0x61: {  	[tilespmem:s0], [sflag:$0x1] =	stream.indirect_vreg.gather @!p0 [hbm4b:s6+s12], $0x80, v3, vm1, $0xb8;
	[tilespmem:$0x10400] =	vst v63  }
0x62: {  	s0 =	simm.s32 @!p0 $0x5C00  }
0x63: {  	[tilespmem:s0], [sflag:$0x1] =	stream.indirect_vreg.gather @!p0 [hbm4b:s7+s12], $0x80, v3, vm1, $0xb8;
	[tilespmem:$0x10400] =	vst v63  }
0x64: {  	s0 =	simm.s32 @!p0 $0x6400  }
0x65: {  	[tilespmem:s0], [sflag:$0x1] =	stream.indirect_vreg.gather @!p0 [hbm4b:s8+s12], $0x80, v3, vm1, $0xb8;
	[tilespmem:$0x10400] =	vst v63  }
0x66: {  	s0 =	simm.s32 @!p0 $0x6C00  }
0x67: {  	[tilespmem:s0], [sflag:$0x1] =	stream.indirect_vreg.gather @!p0 [hbm4b:s9+s12], $0x80, v3, vm1, $0xb8;
	[tilespmem:$0x10400] =	vst v63  }
0x68: {  	s0 =	simm.s32 @!p0 $0x7400  }
0x69: {  	[tilespmem:s0], [sflag:$0x1] =	stream.indirect_vreg.gather @!p0 [hbm4b:s10+s12], $0x80, v3, vm1, $0xb8;
	[tilespmem:$0x10400] =	vst v63  }
0x6a: {  	s0 =	simm.s32 @!p0 $0x7C00  }
0x6b: {  	[tilespmem:s0], [sflag:$0x1] =	stream.indirect_vreg.gather @!p0 [hbm4b:s11+s12], $0x80, v3, vm1, $0xb8;
	[tilespmem:$0x10400] =	vst v63  }
0x6c: {  	_ =	swait.ge [sflag:s4], $0x8000  }
0x6d: {  	[sflag:s4] =	ssyncset.done $0x0  }
0x6e: {  	s12 =	simm.s32 $0x3;
	[sflag:s4] =	ssyncadd.s32 $0xFFFF8000  }
0x6f: {  	[hbm4b:s14+s3] =	stream.linear.scatter [tilespmem:s2], [sflag:$0x3], $0x8000, $0x38;
	[tilespmem:$0x10400] =	vst v63  }
.LBB2_5:
0x70: {  	s15 =	sadd.s32 $0x1, s15  }
0x71: {  	p0 =	sne.s32 s15, $0x40  }
.Ltmp3:
0x72: {  	_ = 	snop;
	(pc) =	sbr.rel @!p0 .LBB2_6-.Ltmp3, $4  }
0x73: {  	_ = 	snop  }
0x74: {  	_ =	swait.ge [sflag:s12], $0x8000  }
0x75: {  	[sflag:s12] =	ssyncset.done $0x0  }
0x76: {  	s13 =	sadd.s32 $0x10, s13;
	s14 =	sadd.s32 $0x1000, s14;
	[sflag:s12] =	ssyncadd.s32 $0xFFFF8000  }
.LBB2_2:
0x77: {  	s12 =	sand.u32 $0x1, s15  }
0x78: {  	p0 =	seq.s32 s12, $0x1  }
.Ltmp4:
0x79: {  	_ = 	snop;
	(pc) =	sbr.rel @p0 .LBB2_4-.Ltmp4, $1  }
0x7a: {  	_ =	sdelay $0x3  }
0x7b: {  	v3 =	vld [tilespmem:s13+$0x0];
	_ =	sdelay $0x4  }
0x7c: {  	v4 =	vshll.u32 v3, $0x4  }
0x7d: {  	v3 =	vand.u32 $0x7, v3;
	v4 =	vand.u32 $0xFFFFFF80, v4  }
0x7e: {  	v3 =	vor.u32 v3, v4  }
0x7f: {  	v4 =	vperm.xlane v3, v0;
	_ =	sdelay $0x1  }
0x80: {  	v4 =	vadd.s32 v1, v4;
	_ =	sdelay $0x4  }
0x81: {  	[tilespmem:s2], [sflag:$0x2] =	stream.indirect_vreg.gather [hbm4b:s1+s3], $0x80, v4, vm0, $0xb8;
	[tilespmem:$0x10400] =	vst v63  }
0x82: {  	s0 =	simm.s32 $0x8C00  }
0x83: {  	[tilespmem:s0], [sflag:$0x2] =	stream.indirect_vreg.gather [hbm4b:s5+s3], $0x80, v4, vm0, $0xb8;
	[tilespmem:$0x10400] =	vst v63  }
0x84: {  	_ = 	snop  }
0x85: {  	[tilespmem:s16], [sflag:$0x2] =	stream.indirect_vreg.gather [hbm4b:s6+s3], $0x80, v4, vm0, $0xb8;
	[tilespmem:$0x10400] =	vst v63  }
0x86: {  	_ = 	snop  }
0x87: {  	[tilespmem:s17], [sflag:$0x2] =	stream.indirect_vreg.gather [hbm4b:s7+s3], $0x80, v4, vm0, $0xb8;
	[tilespmem:$0x10400] =	vst v63  }
0x88: {  	_ = 	snop  }
0x89: {  	[tilespmem:s18], [sflag:$0x2] =	stream.indirect_vreg.gather [hbm4b:s8+s3], $0x80, v4, vm0, $0xb8;
	[tilespmem:$0x10400] =	vst v63  }
0x8a: {  	v3 =	vperm.xlane v3, v2  }
0x8b: {  	[tilespmem:s19], [sflag:$0x2] =	stream.indirect_vreg.gather [hbm4b:s9+s3], $0x80, v4, vm0, $0xb8;
	[tilespmem:$0x10400] =	vst v63  }
0x8c: {  	v3 =	vadd.s32 v1, v3  }
0x8d: {  	[tilespmem:s20], [sflag:$0x2] =	stream.indirect_vreg.gather [hbm4b:s10+s3], $0x80, v4, vm0, $0xb8;
	[tilespmem:$0x10400] =	vst v63  }
0x8e: {  	_ = 	snop  }
0x8f: {  	[tilespmem:s21], [sflag:$0x2] =	stream.indirect_vreg.gather [hbm4b:s11+s3], $0x80, v4, vm0, $0xb8;
	[tilespmem:$0x10400] =	vst v63  }
0x90: {  	_ = 	snop  }
0x91: {  	[tilespmem:s22], [sflag:$0x2] =	stream.indirect_vreg.gather [hbm4b:s1+s3], $0x80, v3, vm0, $0xb8;
	[tilespmem:$0x10400] =	vst v63  }
0x92: {  	_ = 	snop  }
0x93: {  	[tilespmem:s23], [sflag:$0x2] =	stream.indirect_vreg.gather [hbm4b:s5+s3], $0x80, v3, vm0, $0xb8;
	[tilespmem:$0x10400] =	vst v63  }
0x94: {  	_ = 	snop  }
0x95: {  	[tilespmem:s24], [sflag:$0x2] =	stream.indirect_vreg.gather [hbm4b:s6+s3], $0x80, v3, vm0, $0xb8;
	[tilespmem:$0x10400] =	vst v63  }
0x96: {  	_ = 	snop  }
0x97: {  	[tilespmem:s25], [sflag:$0x2] =	stream.indirect_vreg.gather [hbm4b:s7+s3], $0x80, v3, vm0, $0xb8;
	[tilespmem:$0x10400] =	vst v63  }
0x98: {  	_ = 	snop  }
0x99: {  	[tilespmem:s26], [sflag:$0x2] =	stream.indirect_vreg.gather [hbm4b:s8+s3], $0x80, v3, vm0, $0xb8;
	[tilespmem:$0x10400] =	vst v63  }
0x9a: {  	_ = 	snop  }
0x9b: {  	[tilespmem:s28], [sflag:$0x2] =	stream.indirect_vreg.gather [hbm4b:s9+s3], $0x80, v3, vm0, $0xb8;
	[tilespmem:$0x10400] =	vst v63  }
0x9c: {  	_ = 	snop  }
0x9d: {  	[tilespmem:s29], [sflag:$0x2] =	stream.indirect_vreg.gather [hbm4b:s10+s3], $0x80, v3, vm0, $0xb8;
	[tilespmem:$0x10400] =	vst v63  }
0x9e: {  	_ = 	snop  }
0x9f: {  	[tilespmem:s30], [sflag:$0x2] =	stream.indirect_vreg.gather [hbm4b:s11+s3], $0x80, v3, vm0, $0xb8;
	[tilespmem:$0x10400] =	vst v63  }
.Ltmp5:
0xa0: {  	_ =	swait.ge [sflag:s31], $0x8000;
	(pc) =	sbr.rel .LBB2_5-.Ltmp5, $4  }
0xa1: {  	[sflag:s31] =	ssyncset.done $0x0  }
0xa2: {  	s12 =	simm.s32 $0x400;
	[sflag:s31] =	ssyncadd.s32 $0xFFFF8000  }
0xa3: {  	[hbm4b:s14+s3] =	stream.linear.scatter [tilespmem:s12], [sflag:$0x4], $0x8000, $0x38;
	[tilespmem:$0x10400] =	vst v63  }
0xa4: {  	s12 =	simm.s32 $0x4  }
.LBB2_7:
0xa5: {  	_ =	sfence.sel $0x180000  }
0xa6: {  	[bflag:$0x0] =	sbarrier.arrive $0xFFFF  }
0xa7: {  	_ =	strace $0x90000047  }
0xa8: {  	s0 =	stileid.u32;
	[bflag:$0x2] =	sbarrier.arrive $0xFFFF  }
0xa9: {  	p0 =	sne.s32 s0, $0x0;
	s0 =	rddreg [dreg:$0x3]  }
0xaa: {  	s0 =	sadd.s32 @!p0 $0x100000, s0  }
0xab: {  	[sflag:s0] =	ssyncadd.tile.s32 @!p0 $0x1;
	_ =	shalt  }
.Lfunc_end2:
_tile_overlayer_lowered:
.L_overlay_start_2:
0xac: {  	(tag) =	ssettag $0x2  }
0xad: {  	s0 =	rddreg [dreg:$0x0];
	s2 =	stileid.u32  }
0xae: {  	s1 =	rddreg [dreg:$0x1];
	p0 =	sne.s32 s2, $0x0  }
0xaf: {  	s3 =	rddreg [dreg:$0x2];
	[bflag:$0x3] =	sbarrier.arrive $0xFFFF;
	s2 =	simm.s32 @!p0 $0x1C03  }
0xb0: {  	[timem:s3], [sflag:s2] =	dma.local @!p0 [hbm:s0], s1  }
0xb1: {  	s0 =	simm.s32 @!p0 $0x3  }
0xb2: {  	_ =	swait.ge @!p0 [sflag:s0], s1  }
0xb3: {  	s1 =	ssub.s32 @!p0 $0x0, s1;
	[sflag:s0] =	ssyncset.done @!p0 $0x0  }
0xb4: {  	[sflag:s0] =	ssyncadd.s32 @!p0 s1  }
0xb5: {  	[bflag:$0x3] =	sbarrier.arrive $0xFFFF  }
0xb6: {  	_ =	shalt  }

</sc_bundles>
